<compile_context>
chip_gen: v7x
topology: tpu7x:2x2x1
jax: 0.10.2.dev20260603
libtpu: 0.0.44.dev20260713+nightly
codegen_flags: <defaults>
</compile_context>

<pallas_src>
import functools

import jax
import jax.numpy as jnp
from jax import lax
from jax.experimental import pallas as pl
from jax.experimental.pallas import tpu as pltpu
from jax.experimental.pallas import tpu_sc as plsc

MARGIN_ = 0.5



def _argmin_body(z_ref, t_ref, cb_ref, tc_ref, idx_ref, dp_ref, c2_ref, *, kk):
    @pl.when(pl.program_id(0) == 0)
    def _():
        cb0 = cb_ref[...]
        ones = jnp.ones((1, cb0.shape[1]), jnp.float32)
        c2_ref[...] = lax.dot_general(ones, cb0 * cb0, (((1,), (1,)), ((), ())),
                                      preferred_element_type=jnp.float32)

    zb = z_ref[...]
    zc = lax.dot_general(zb * (-2.0), cb_ref[...], (((1,), (1,)), ((), ())),
                         preferred_element_type=jnp.float32)
    z2 = jnp.sum(zb * zb, axis=1, keepdims=True)
    e = jnp.maximum(zc + c2_ref[...], 1e-12 - z2)
    col = lax.broadcasted_iota(jnp.int32, e.shape, 1)
    tcb = tc_ref[...].reshape(-1, 1)
    em = jnp.where(col == tcb, jnp.inf, e)
    idx = jnp.argmin(em, axis=1).astype(jnp.int32)
    idx_ref[...] = idx.reshape(1, 1, -1)

    tb = t_ref[...]
    diff = tb - zb
    dp2 = jnp.sum(diff * diff, axis=1)
    dp_ref[...] = jnp.sqrt(jnp.maximum(dp2, 1e-12)).reshape(1, 1, -1)


def _mine_and_dpos(z, t, codebook, tc):
    n, c = z.shape
    kk = codebook.shape[0]
    tb = 1152
    n_tb = n // tb
    tc3 = tc.reshape(n_tb, 1, tb)
    idx3, dpos3 = pl.pallas_call(
        functools.partial(_argmin_body, kk=kk),
        grid=(n_tb,),
        in_specs=[
            pl.BlockSpec((tb, c), lambda i: (i, 0)),
            pl.BlockSpec((tb, c), lambda i: (i, 0)),
            pl.BlockSpec((kk, c), lambda i: (0, 0)),
            pl.BlockSpec((1, 1, tb), lambda i: (i, 0, 0)),
        ],
        out_specs=[
            pl.BlockSpec((1, 1, tb), lambda i: (i, 0, 0)),
            pl.BlockSpec((1, 1, tb), lambda i: (i, 0, 0)),
        ],
        out_shape=[
            jax.ShapeDtypeStruct((n_tb, 1, tb), jnp.int32),
            jax.ShapeDtypeStruct((n_tb, 1, tb), jnp.float32),
        ],
        scratch_shapes=[pltpu.VMEM((1, kk), jnp.float32)],
    )(z, t, codebook, tc3)
    return idx3.reshape(n), dpos3



def _sc_gather(codebook, idx):
    n = idx.shape[0]
    d = codebook.shape[1]
    info = plsc.get_sparse_core_info()
    nc, ns = info.num_cores, info.num_subcores
    nw = nc * ns
    b_per_w = n // nw
    mesh = plsc.VectorSubcoreMesh(core_axis_name="c", subcore_axis_name="s")

    @functools.partial(
        pl.kernel, mesh=mesh,
        out_type=jax.ShapeDtypeStruct((n, d), jnp.float32),
        scratch_types=[
            pltpu.VMEM((b_per_w,), jnp.int32),
            pltpu.VMEM((b_per_w, d), jnp.float32),
            pltpu.SemaphoreType.DMA,
        ],
    )
    def gather_k(table_hbm, idx_hbm, out_hbm, idx_v, rows_v, sem):
        wid = lax.axis_index("s") * nc + lax.axis_index("c")
        base = wid * b_per_w
        pltpu.sync_copy(idx_hbm.at[pl.ds(base, b_per_w)], idx_v)
        pltpu.async_copy(table_hbm.at[idx_v], rows_v, sem).wait()
        pltpu.sync_copy(rows_v, out_hbm.at[pl.ds(base, b_per_w)])

    return gather_k(codebook, idx)



def _loss_body(t_ref, n_ref, dp_ref, out_ref, *, n_total, n_blocks):
    i = pl.program_id(0)
    tb = t_ref[...]
    nb = n_ref[...]
    dn = jnp.sqrt(jnp.maximum(jnp.sum((tb - nb) ** 2, axis=1), 1e-12))
    dp = dp_ref[...].reshape(-1)
    losses = jnp.maximum(dp - dn + MARGIN_, 0.0)
    sat = (dn > dp + MARGIN_).astype(jnp.float32)
    lane = lax.broadcasted_iota(jnp.int32, (8, 128), 0)
    part = jnp.where(lane == 0, jnp.sum(losses),
           jnp.where(lane == 1, jnp.sum(dp),
           jnp.where(lane == 2, jnp.sum(dn),
           jnp.where(lane == 3, jnp.sum(sat), 0.0))))

    @pl.when(i == 0)
    def _():
        out_ref[...] = jnp.zeros_like(out_ref)

    out_ref[...] += part

    @pl.when(i == n_blocks - 1)
    def _():
        out_ref[...] = out_ref[...] / float(n_total)


def _triplet_stats(t, negs, dpos3):
    n, c = t.shape
    nb = 512
    n_blocks = n // nb
    dp2 = dpos3.reshape(n_blocks, 1, nb)
    out = pl.pallas_call(
        functools.partial(_loss_body, n_total=n, n_blocks=n_blocks),
        grid=(n_blocks,),
        in_specs=[
            pl.BlockSpec((nb, c), lambda i: (i, 0)),
            pl.BlockSpec((nb, c), lambda i: (i, 0)),
            pl.BlockSpec((1, 1, nb), lambda i: (i, 0, 0)),
        ],
        out_specs=pl.BlockSpec((8, 128), lambda i: (0, 0)),
        out_shape=jax.ShapeDtypeStruct((8, 128), jnp.float32),
    )(t, negs, dp2)
    return out[0, 0], out[1, 0], out[2, 0], out[3, 0]


def kernel(student_out, teacher_out, codebook, teacher_codes):
    b, c, t = student_out.shape
    n = b * t
    z = jnp.transpose(student_out, (0, 2, 1)).reshape(n, c)
    tt = jnp.transpose(teacher_out, (0, 2, 1)).reshape(n, c)
    tc = teacher_codes.astype(jnp.int32).reshape(n)

    idx, dpos3 = _mine_and_dpos(z, tt, codebook, tc)
    negs = _sc_gather(codebook, idx)
    loss, d_pos, d_neg, sat = _triplet_stats(tt, negs, dpos3)
    return (loss, d_pos, d_neg, sat)

# --- scband reference (transcript-rebuilt; emitter-appended) ---
"""Pipeline reference for scband-triplet-loss-6493990552083 (READ-ONLY COPY).

The authoritative reference and input builder live on the scoring server;
editing this copy changes nothing except your own understanding.
"""

import jax, jax.numpy as jnp
import numpy as np

MARGIN = 0.5

def setup_inputs(seed: int = 0) -> dict:
    key = jax.random.key(seed)
    k1, k2, k3, k4 = jax.random.split(key, 4)
    student_out = jax.random.normal(k1, (8, 256, 576), dtype=jnp.float32)
    teacher_out = jax.random.normal(k2, (8, 256, 576), dtype=jnp.float32)
    codebook = jax.random.normal(k3, (8192, 256), dtype=jnp.float32)
    teacher_codes = jax.random.randint(k4, (8, 576), 0, 8192, dtype=jnp.int32).astype(jnp.int64)
    return {"student_out": student_out, "teacher_out": teacher_out, "codebook": codebook, "teacher_codes": teacher_codes}

def reference(student_out, teacher_out, codebook, teacher_codes):
    B, C, T = student_out.shape
    # hard negative mining
    z = jnp.transpose(student_out, (0, 2, 1)).reshape(-1, C)  # (B*T, C)
    z2 = jnp.sum(z * z, axis=1, keepdims=True)                # (B*T, 1)
    c2 = jnp.sum(codebook * codebook, axis=1)[None, :]        # (1, K)
    d2 = z2 + c2 - 2.0 * (z @ codebook.T)                     # (B*T, K)
    dists = jnp.sqrt(jnp.maximum(d2, 1e-12))
    teacher_flat = teacher_codes.reshape(-1)
    rows = jnp.arange(teacher_flat.shape[0])
    dists = dists.at[rows, teacher_flat].set(jnp.inf)
    hard_neg_idx = jnp.argmin(dists, axis=1)
    hard_negatives = jnp.take(codebook, hard_neg_idx, axis=0).reshape(B, T, C)
    # triplet loss
    anchor = jnp.transpose(teacher_out, (0, 2, 1))   # (B, T, C)
    positive = jnp.transpose(student_out, (0, 2, 1)) # (B, T, C)
    negative = hard_negatives
    d_pos = jnp.sqrt(jnp.maximum(jnp.sum((anchor - positive) ** 2, axis=-1), 1e-12))
    d_neg = jnp.sqrt(jnp.maximum(jnp.sum((anchor - negative) ** 2, axis=-1), 1e-12))
    losses = jax.nn.relu(d_pos - d_neg + MARGIN)
    loss = jnp.mean(losses)
    d_positive = jnp.mean(d_pos)
    d_negative = jnp.mean(d_neg)
    margin_satisfied = jnp.mean((d_neg > d_pos + MARGIN).astype(jnp.float32))
    return (loss, d_positive, d_negative, margin_satisfied)

if __name__ == "__main__":
    import jax
    _d = setup_inputs()
    print(jax.jit(kernel)(*tuple(_d.values())))

</pallas_src>

<mosaic_0001>
#map = affine_map<(d0, d1) -> (0, 0)>
#map1 = affine_map<(d0, d1) -> (0)>
module attributes {stable_mosaic.version = 14 : i64} {
  func.func @gather_k(%arg0: i32, %arg1: i32, %arg2: memref<8192x256xf32, #tpu.memory_space<hbm>>, %arg3: memref<4608xi32, #tpu.memory_space<hbm>>, %arg4: memref<4608x256xf32, #tpu.memory_space<hbm>>, %arg5: memref<144xi32, #tpu.memory_space<vmem>>, %arg6: memref<144x256xf32, #tpu.memory_space<vmem>>, %arg7: memref<!tpu.dma_semaphore, #tpu.memory_space<semaphore_mem>>) attributes {dimension_semantics = [#tpu.dimension_semantics<core_parallel>, #tpu.dimension_semantics<subcore_parallel>], iteration_bounds = array<i64: 2, 16>, scalar_prefetch = 0 : i64, scratch_operands = 3 : i64, tpu.core_type = #tpu.core_type<sc_vector_subcore>, window_params = [{transform_indices = #map}, {transform_indices = #map1}, {transform_indices = #map}]} {
    %mul3A = arith.constant 2 : i32
    %mul3A_0 = arith.muli %arg1, %mul3A : i32
    %add3A = arith.addi %mul3A_0, %arg0 : i32
    %mul3A_1 = arith.constant 144 : i32
    %mul3A_2 = arith.muli %add3A, %mul3A_1 : i32
    "tpu.region"() ({
      %run_scoped3A = tpu.sem_alloc : memref<!tpu.dma_semaphore, #tpu.memory_space<semaphore_mem>>
      %dma_start3A_7 = tpu.memref_slice %arg3[%mul3A_2] : memref<4608xi32, #tpu.memory_space<hbm>> -> memref<144xi32, #tpu.memory_space<hbm>>
      %dma_start3A_8 = tpu.memref_slice %arg3[%mul3A_2] : memref<4608xi32, #tpu.memory_space<hbm>> -> memref<144xi32, #tpu.memory_space<hbm>>
      tpu.enqueue_dma source(%dma_start3A_8 : memref<144xi32, #tpu.memory_space<hbm>>) target(%arg5 : memref<144xi32, #tpu.memory_space<vmem>>) target_semaphore(%run_scoped3A : memref<!tpu.dma_semaphore, #tpu.memory_space<semaphore_mem>>)
      %dma_wait3A_9 = tpu.memref_slice %arg3[%mul3A_2] : memref<4608xi32, #tpu.memory_space<hbm>> -> memref<144xi32, #tpu.memory_space<hbm>>
      %dma_wait3A_10 = tpu.memref_slice %arg3[%mul3A_2] : memref<4608xi32, #tpu.memory_space<hbm>> -> memref<144xi32, #tpu.memory_space<hbm>>
      tpu.wait_dma2 semaphore(%run_scoped3A : memref<!tpu.dma_semaphore, #tpu.memory_space<semaphore_mem>>) src(%dma_wait3A_10 : memref<144xi32, #tpu.memory_space<hbm>>) dst(%arg5 : memref<144xi32, #tpu.memory_space<vmem>>)
      tpu.yield
    }) : () -> ()
    %dma_start3A = arith.constant 0 : i32
    %dma_start3A_3 = arith.constant 0 : i32
    %dma_start3A_4 = tpu.memref_slice %arg2[%dma_start3A, %dma_start3A_3] : memref<8192x256xf32, #tpu.memory_space<hbm>> -> memref<8192x256xf32, #tpu.memory_space<hbm>>
    tpu.enqueue_indirect_dma source(%dma_start3A_4 : memref<8192x256xf32, #tpu.memory_space<hbm>>) target(%arg6 : memref<144x256xf32, #tpu.memory_space<vmem>>) offsets(%arg5 : memref<144xi32, #tpu.memory_space<vmem>>) semaphore(%arg7 : memref<!tpu.dma_semaphore, #tpu.memory_space<semaphore_mem>>)
    %dma_wait3A = arith.constant 0 : i32
    %dma_wait3A_5 = arith.constant 0 : i32
    %dma_wait3A_6 = tpu.memref_slice %arg2[%dma_wait3A, %dma_wait3A_5] : memref<8192x256xf32, #tpu.memory_space<hbm>> -> memref<8192x256xf32, #tpu.memory_space<hbm>>
    tpu.wait_indirect_dma semaphore(%arg7 : memref<!tpu.dma_semaphore, #tpu.memory_space<semaphore_mem>>) src(%dma_wait3A_6 : memref<8192x256xf32, #tpu.memory_space<hbm>>) dst(%arg6 : memref<144x256xf32, #tpu.memory_space<vmem>>)
    "tpu.region"() ({
      %run_scoped3A = tpu.sem_alloc : memref<!tpu.dma_semaphore, #tpu.memory_space<semaphore_mem>>
      %dma_start3A_7 = arith.constant 0 : i32
      %dma_start3A_8 = tpu.memref_slice %arg4[%mul3A_2, %dma_start3A_7] : memref<4608x256xf32, #tpu.memory_space<hbm>> -> memref<144x256xf32, #tpu.memory_space<hbm>>
      %dma_start3A_9 = arith.constant 0 : i32
      %dma_start3A_10 = tpu.memref_slice %arg4[%mul3A_2, %dma_start3A_9] : memref<4608x256xf32, #tpu.memory_space<hbm>> -> memref<144x256xf32, #tpu.memory_space<hbm>>
      tpu.enqueue_dma source(%arg6 : memref<144x256xf32, #tpu.memory_space<vmem>>) target(%dma_start3A_10 : memref<144x256xf32, #tpu.memory_space<hbm>>) target_semaphore(%run_scoped3A : memref<!tpu.dma_semaphore, #tpu.memory_space<semaphore_mem>>)
      %dma_wait3A_11 = arith.constant 0 : i32
      %dma_wait3A_12 = tpu.memref_slice %arg4[%mul3A_2, %dma_wait3A_11] : memref<4608x256xf32, #tpu.memory_space<hbm>> -> memref<144x256xf32, #tpu.memory_space<hbm>>
      %dma_wait3A_13 = arith.constant 0 : i32
      %dma_wait3A_14 = tpu.memref_slice %arg4[%mul3A_2, %dma_wait3A_13] : memref<4608x256xf32, #tpu.memory_space<hbm>> -> memref<144x256xf32, #tpu.memory_space<hbm>>
      tpu.wait_dma2 semaphore(%run_scoped3A : memref<!tpu.dma_semaphore, #tpu.memory_space<semaphore_mem>>) src(%arg6 : memref<144x256xf32, #tpu.memory_space<vmem>>) dst(%dma_wait3A_14 : memref<144x256xf32, #tpu.memory_space<hbm>>)
      tpu.yield
    }) : () -> ()
    return
  }
}

module attributes {stable_mosaic.version = 14 : i64} {
  func.func @_argmin_body(%arg0: i32, %arg1: memref<1152x256xf32, #tpu.memory_space<vmem>>, %arg2: memref<1152x256xf32, #tpu.memory_space<vmem>>, %arg3: memref<8192x256xf32, #tpu.memory_space<vmem>>, %arg4: memref<1x1x1152xi32, #tpu.memory_space<vmem>>, %arg5: memref<1x1x1152xi32, #tpu.memory_space<vmem>>, %arg6: memref<1x1x1152xf32, #tpu.memory_space<vmem>>, %arg7: memref<1x8192xf32, #tpu.memory_space<vmem>>) attributes {dimension_semantics = [#tpu.dimension_semantics<arbitrary>], iteration_bounds = array<i64: 4>, scalar_prefetch = 0 : i64, scratch_operands = 1 : i64, tpu.core_type = #tpu.core_type<tc>, window_params = [{transform_indices = @transform_0, window_bounds = array<i64: 1152, 256>}, {transform_indices = @transform_1, window_bounds = array<i64: 1152, 256>}, {pipeline_mode = #tpu.pipeline_mode<synchronous>, transform_indices = @transform_2, window_bounds = array<i64: 8192, 256>}, {transform_indices = @transform_3, window_bounds = array<i64: 1, 1, 1152>}, {transform_indices = @transform_4, window_bounds = array<i64: 1, 1, 1152>}, {transform_indices = @transform_5, window_bounds = array<i64: 1, 1, 1152>}]} {
    %eq3A = arith.constant 0 : i32
    %eq3A_0 = arith.cmpi eq, %arg0, %eq3A : i32
    %convert_element_type3A = arith.extui %eq3A_0 : i1 to i32
    %cond3A = arith.constant 0 : i32
    %cond3A_1 = arith.cmpi ne, %convert_element_type3A, %cond3A : i32
    scf.if %cond3A_1 {
      %get3A_45 = arith.constant 0 : index
      %get3A_46 = arith.constant 0 : index
      %get3A_47 = vector.load %arg3[%get3A_45, %get3A_46] : memref<8192x256xf32, #tpu.memory_space<vmem>>, vector<8192x256xf32>
      %broadcast_in_dim3A_48 = arith.constant 1.000000e+00 : f32
      %broadcast_in_dim3A_49 = vector.broadcast %broadcast_in_dim3A_48 : f32 to vector<1x256xf32>
      %mul3A_50 = arith.mulf %get3A_47, %get3A_47 : vector<8192x256xf32>
      %dot_general3A_51 = arith.constant dense<0.000000e+00> : vector<1x8192xf32>
      %dot_general3A_52 = tpu.matmul %broadcast_in_dim3A_49, %mul3A_50, %dot_general3A_51 {dimension_numbers = #tpu.dot_dimension_numbers<[1], [1], [0], [0], [0, 0, 1, 0], [], []>, transpose_lhs_hint = false} : vector<1x256xf32>, vector<8192x256xf32>, vector<1x8192xf32> -> vector<1x8192xf32>
      %swap3A_53 = arith.constant 0 : index
      %swap3A_54 = arith.constant 0 : index
      %swap3A_55 = vector.load %arg7[%swap3A_53, %swap3A_54] : memref<1x8192xf32, #tpu.memory_space<vmem>>, vector<1x8192xf32>
      tpu.vector_store %arg7[%swap3A_53, %swap3A_54], %dot_general3A_52 {strides = array<i32>} : memref<1x8192xf32, #tpu.memory_space<vmem>>, vector<1x8192xf32>,
    } else {
    }
    %get3A = arith.constant 0 : index
    %get3A_2 = arith.constant 0 : index
    %get3A_3 = vector.load %arg1[%get3A, %get3A_2] : memref<1152x256xf32, #tpu.memory_space<vmem>>, vector<1152x256xf32>
    %mul3A = arith.constant -2.000000e+00 : f32
    %mul3A_4 = vector.broadcast %mul3A : f32 to vector<1152x256xf32>
    %mul3A_5 = arith.mulf %get3A_3, %mul3A_4 : vector<1152x256xf32>
    %get3A_6 = arith.constant 0 : index
    %get3A_7 = arith.constant 0 : index
    %get3A_8 = vector.load %arg3[%get3A_6, %get3A_7] : memref<8192x256xf32, #tpu.memory_space<vmem>>, vector<8192x256xf32>
    %dot_general3A = arith.constant dense<0.000000e+00> : vector<1152x8192xf32>
    %dot_general3A_9 = tpu.matmul %mul3A_5, %get3A_8, %dot_general3A {dimension_numbers = #tpu.dot_dimension_numbers<[1], [1], [0], [0], [0, 0, 1, 0], [], []>, transpose_lhs_hint = false} : vector<1152x256xf32>, vector<8192x256xf32>, vector<1152x8192xf32> -> vector<1152x8192xf32>
    %mul3A_10 = arith.mulf %get3A_3, %get3A_3 : vector<1152x256xf32>
    %reduce_sum3A = arith.constant dense<0.000000e+00> : vector<1152xf32>
    %reduce_sum3A_11 = vector.multi_reduction <add>, %mul3A_10, %reduce_sum3A [1] : vector<1152x256xf32> to vector<1152xf32>
    %broadcast_in_dim3A = vector.shape_cast %reduce_sum3A_11 : vector<1152xf32> to vector<1152x1xf32>
    %get3A_12 = arith.constant 0 : index
    %get3A_13 = arith.constant 0 : index
    %get3A_14 = vector.load %arg7[%get3A_12, %get3A_13] : memref<1x8192xf32, #tpu.memory_space<vmem>>, vector<1x8192xf32>
    %add3A = vector.broadcast %get3A_14 : vector<1x8192xf32> to vector<1152x8192xf32>
    %add3A_15 = arith.addf %dot_general3A_9, %add3A : vector<1152x8192xf32>
    %sub3A = arith.constant 9.99999996E-13 : f32
    %sub3A_16 = vector.broadcast %sub3A : f32 to vector<1152x1xf32>
    %sub3A_17 = arith.subf %sub3A_16, %broadcast_in_dim3A : vector<1152x1xf32>
    %max3A = vector.broadcast %sub3A_17 : vector<1152x1xf32> to vector<1152x8192xf32>
    %max3A_18 = arith.maximumf %add3A_15, %max3A : vector<1152x8192xf32>
    %iota3A = tpu.iota {dimensions = array<i32: 1>} : vector<1152x8192xi32>
    %get3A_19 = arith.constant 0 : index
    %get3A_20 = arith.constant 0 : index
    %get3A_21 = arith.constant 0 : index
    %get3A_22 = vector.load %arg4[%get3A_19, %get3A_20, %get3A_21] : memref<1x1x1152xi32, #tpu.memory_space<vmem>>, vector<1x1x1152xi32>
    %reshape3A = vector.shape_cast %get3A_22 : vector<1x1x1152xi32> to vector<1152x1xi32>
    %eq3A_23 = vector.broadcast %reshape3A : vector<1152x1xi32> to vector<1152x8192xi32>
    %eq3A_24 = arith.cmpi eq, %iota3A, %eq3A_23 : vector<1152x8192xi32>
    %jit3A = arith.constant 0x7F800000 : f32
    %broadcast_in_dim3A_25 = vector.broadcast %jit3A : f32 to vector<1152x8192xf32>
    %select_n3A = arith.select %eq3A_24, %broadcast_in_dim3A_25, %max3A_18 : vector<1152x8192xi1>, vector<1152x8192xf32>
    %argmin3A = tpu.reduce_index %select_n3A {axis = 1 : i32, kind = #tpu.reduction_kind<arg_min>} : vector<1152x8192xf32> -> vector<1152xi32>
    %reshape3A_26 = vector.shape_cast %argmin3A : vector<1152xi32> to vector<1x1x1152xi32>
    %swap3A = arith.constant 0 : index
    %swap3A_27 = arith.constant 0 : index
    %swap3A_28 = arith.constant 0 : index
    %swap3A_29 = vector.load %arg5[%swap3A, %swap3A_27, %swap3A_28] : memref<1x1x1152xi32, #tpu.memory_space<vmem>>, vector<1x1x1152xi32>
    tpu.vector_store %arg5[%swap3A, %swap3A_27, %swap3A_28], %reshape3A_26 {strides = array<i32>} : memref<1x1x1152xi32, #tpu.memory_space<vmem>>, vector<1x1x1152xi32>,
    %get3A_30 = arith.constant 0 : index
    %get3A_31 = arith.constant 0 : index
    %get3A_32 = vector.load %arg2[%get3A_30, %get3A_31] : memref<1152x256xf32, #tpu.memory_space<vmem>>, vector<1152x256xf32>
    %sub3A_33 = arith.subf %get3A_32, %get3A_3 : vector<1152x256xf32>
    %mul3A_34 = arith.mulf %sub3A_33, %sub3A_33 : vector<1152x256xf32>
    %reduce_sum3A_35 = arith.constant dense<0.000000e+00> : vector<1152xf32>
    %reduce_sum3A_36 = vector.multi_reduction <add>, %mul3A_34, %reduce_sum3A_35 [1] : vector<1152x256xf32> to vector<1152xf32>
    %max3A_37 = arith.constant 9.99999996E-13 : f32
    %max3A_38 = vector.broadcast %max3A_37 : f32 to vector<1152xf32>
    %max3A_39 = arith.maximumf %reduce_sum3A_36, %max3A_38 : vector<1152xf32>
    %sqrt3A = math.sqrt %max3A_39 : vector<1152xf32>
    %reshape3A_40 = vector.shape_cast %sqrt3A : vector<1152xf32> to vector<1x1x1152xf32>
    %swap3A_41 = arith.constant 0 : index
    %swap3A_42 = arith.constant 0 : index
    %swap3A_43 = arith.constant 0 : index
    %swap3A_44 = vector.load %arg6[%swap3A_41, %swap3A_42, %swap3A_43] : memref<1x1x1152xf32, #tpu.memory_space<vmem>>, vector<1x1x1152xf32>
    tpu.vector_store %arg6[%swap3A_41, %swap3A_42, %swap3A_43], %reshape3A_40 {strides = array<i32>} : memref<1x1x1152xf32, #tpu.memory_space<vmem>>, vector<1x1x1152xf32>,
    return
  }
  func.func @transform_0(%arg0: i32) -> (i32, i32) {
    %c0_i32 = arith.constant 0 : i32
    %c0_i32_0 = arith.constant 0 : i32
    return %arg0, %c0_i32 : i32, i32
  }
  func.func @transform_1(%arg0: i32) -> (i32, i32) {
    %c0_i32 = arith.constant 0 : i32
    %c0_i32_0 = arith.constant 0 : i32
    return %arg0, %c0_i32 : i32, i32
  }
  func.func @transform_2(%arg0: i32) -> (i32, i32) {
    %c0_i32 = arith.constant 0 : i32
    %c0_i32_0 = arith.constant 0 : i32
    %c0_i32_1 = arith.constant 0 : i32
    return %c0_i32, %c0_i32_0 : i32, i32
  }
  func.func @transform_3(%arg0: i32) -> (i32, i32, i32) {
    %c0_i32 = arith.constant 0 : i32
    %c0_i32_0 = arith.constant 0 : i32
    %c0_i32_1 = arith.constant 0 : i32
    return %arg0, %c0_i32, %c0_i32_0 : i32, i32, i32
  }
  func.func @transform_4(%arg0: i32) -> (i32, i32, i32) {
    %c0_i32 = arith.constant 0 : i32
    %c0_i32_0 = arith.constant 0 : i32
    %c0_i32_1 = arith.constant 0 : i32
    return %arg0, %c0_i32, %c0_i32_0 : i32, i32, i32
  }
  func.func @transform_5(%arg0: i32) -> (i32, i32, i32) {
    %c0_i32 = arith.constant 0 : i32
    %c0_i32_0 = arith.constant 0 : i32
    %c0_i32_1 = arith.constant 0 : i32
    return %arg0, %c0_i32, %c0_i32_0 : i32, i32, i32
  }
}

module attributes {stable_mosaic.version = 14 : i64} {
  func.func @_loss_body(%arg0: i32, %arg1: memref<512x256xf32, #tpu.memory_space<vmem>>, %arg2: memref<512x256xf32, #tpu.memory_space<vmem>>, %arg3: memref<1x1x512xf32, #tpu.memory_space<vmem>>, %arg4: memref<8x128xf32, #tpu.memory_space<vmem>>) attributes {dimension_semantics = [#tpu.dimension_semantics<arbitrary>], iteration_bounds = array<i64: 9>, scalar_prefetch = 0 : i64, scratch_operands = 0 : i64, tpu.core_type = #tpu.core_type<tc>, window_params = [{transform_indices = @transform_0, window_bounds = array<i64: 512, 256>}, {transform_indices = @transform_1, window_bounds = array<i64: 512, 256>}, {transform_indices = @transform_2, window_bounds = array<i64: 1, 1, 512>}, {pipeline_mode = #tpu.pipeline_mode<synchronous>, transform_indices = @transform_3, window_bounds = array<i64: 8, 128>}]} {
    %get3A = arith.constant 0 : index
    %get3A_0 = arith.constant 0 : index
    %get3A_1 = vector.load %arg1[%get3A, %get3A_0] : memref<512x256xf32, #tpu.memory_space<vmem>>, vector<512x256xf32>
    %get3A_2 = arith.constant 0 : index
    %get3A_3 = arith.constant 0 : index
    %get3A_4 = vector.load %arg2[%get3A_2, %get3A_3] : memref<512x256xf32, #tpu.memory_space<vmem>>, vector<512x256xf32>
    %sub3A = arith.subf %get3A_1, %get3A_4 : vector<512x256xf32>
    %integer_pow3A = arith.mulf %sub3A, %sub3A : vector<512x256xf32>
    %reduce_sum3A = arith.constant dense<0.000000e+00> : vector<512xf32>
    %reduce_sum3A_5 = vector.multi_reduction <add>, %integer_pow3A, %reduce_sum3A [1] : vector<512x256xf32> to vector<512xf32>
    %max3A = arith.constant 9.99999996E-13 : f32
    %max3A_6 = vector.broadcast %max3A : f32 to vector<512xf32>
    %max3A_7 = arith.maximumf %reduce_sum3A_5, %max3A_6 : vector<512xf32>
    %sqrt3A = math.sqrt %max3A_7 : vector<512xf32>
    %get3A_8 = arith.constant 0 : index
    %get3A_9 = arith.constant 0 : index
    %get3A_10 = arith.constant 0 : index
    %get3A_11 = vector.load %arg3[%get3A_8, %get3A_9, %get3A_10] : memref<1x1x512xf32, #tpu.memory_space<vmem>>, vector<1x1x512xf32>
    %reshape3A = vector.shape_cast %get3A_11 : vector<1x1x512xf32> to vector<512xf32>
    %sub3A_12 = arith.subf %reshape3A, %sqrt3A : vector<512xf32>
    %add3A = arith.constant 5.000000e-01 : f32
    %add3A_13 = vector.broadcast %add3A : f32 to vector<512xf32>
    %add3A_14 = arith.addf %sub3A_12, %add3A_13 : vector<512xf32>
    %max3A_15 = arith.constant 0.000000e+00 : f32
    %max3A_16 = vector.broadcast %max3A_15 : f32 to vector<512xf32>
    %max3A_17 = arith.maximumf %add3A_14, %max3A_16 : vector<512xf32>
    %add3A_18 = arith.constant 5.000000e-01 : f32
    %add3A_19 = vector.broadcast %add3A_18 : f32 to vector<512xf32>
    %add3A_20 = arith.addf %reshape3A, %add3A_19 : vector<512xf32>
    %gt3A = arith.cmpf ogt, %sqrt3A, %add3A_20 : vector<512xf32>
    %convert_element_type3A = arith.extui %gt3A : vector<512xi1> to vector<512xi32>
    %convert_element_type3A_21 = arith.sitofp %convert_element_type3A : vector<512xi32> to vector<512xf32>
    %iota3A = tpu.iota {dimensions = array<i32: 0>} : vector<8x128xi32>
    %eq3A = arith.constant 0 : i32
    %eq3A_22 = vector.broadcast %eq3A : i32 to vector<8x128xi32>
    %eq3A_23 = arith.cmpi eq, %iota3A, %eq3A_22 : vector<8x128xi32>
    %reduce_sum3A_24 = vector.shape_cast %max3A_17 : vector<512xf32> to vector<1x512xf32>
    %reduce_sum3A_25 = arith.constant dense<0.000000e+00> : vector<1xf32>
    %reduce_sum3A_26 = vector.multi_reduction <add>, %reduce_sum3A_24, %reduce_sum3A_25 [1] : vector<1x512xf32> to vector<1xf32>
    %reduce_sum3A_27 = vector.shape_cast %reduce_sum3A_26 : vector<1xf32> to vector<1x1xf32>
    %reduce_sum3A_28 = vector.extract %reduce_sum3A_27[0, 0] : f32 from vector<1x1xf32>
    %eq3A_29 = arith.constant 1 : i32
    %eq3A_30 = vector.broadcast %eq3A_29 : i32 to vector<8x128xi32>
    %eq3A_31 = arith.cmpi eq, %iota3A, %eq3A_30 : vector<8x128xi32>
    %reduce_sum3A_32 = vector.shape_cast %reshape3A : vector<512xf32> to vector<1x512xf32>
    %reduce_sum3A_33 = arith.constant dense<0.000000e+00> : vector<1xf32>
    %reduce_sum3A_34 = vector.multi_reduction <add>, %reduce_sum3A_32, %reduce_sum3A_33 [1] : vector<1x512xf32> to vector<1xf32>
    %reduce_sum3A_35 = vector.shape_cast %reduce_sum3A_34 : vector<1xf32> to vector<1x1xf32>
    %reduce_sum3A_36 = vector.extract %reduce_sum3A_35[0, 0] : f32 from vector<1x1xf32>
    %eq3A_37 = arith.constant 2 : i32
    %eq3A_38 = vector.broadcast %eq3A_37 : i32 to vector<8x128xi32>
    %eq3A_39 = arith.cmpi eq, %iota3A, %eq3A_38 : vector<8x128xi32>
    %reduce_sum3A_40 = vector.shape_cast %sqrt3A : vector<512xf32> to vector<1x512xf32>
    %reduce_sum3A_41 = arith.constant dense<0.000000e+00> : vector<1xf32>
    %reduce_sum3A_42 = vector.multi_reduction <add>, %reduce_sum3A_40, %reduce_sum3A_41 [1] : vector<1x512xf32> to vector<1xf32>
    %reduce_sum3A_43 = vector.shape_cast %reduce_sum3A_42 : vector<1xf32> to vector<1x1xf32>
    %reduce_sum3A_44 = vector.extract %reduce_sum3A_43[0, 0] : f32 from vector<1x1xf32>
    %eq3A_45 = arith.constant 3 : i32
    %eq3A_46 = vector.broadcast %eq3A_45 : i32 to vector<8x128xi32>
    %eq3A_47 = arith.cmpi eq, %iota3A, %eq3A_46 : vector<8x128xi32>
    %reduce_sum3A_48 = vector.shape_cast %convert_element_type3A_21 : vector<512xf32> to vector<1x512xf32>
    %reduce_sum3A_49 = arith.constant dense<0.000000e+00> : vector<1xf32>
    %reduce_sum3A_50 = vector.multi_reduction <add>, %reduce_sum3A_48, %reduce_sum3A_49 [1] : vector<1x512xf32> to vector<1xf32>
    %reduce_sum3A_51 = vector.shape_cast %reduce_sum3A_50 : vector<1xf32> to vector<1x1xf32>
    %reduce_sum3A_52 = vector.extract %reduce_sum3A_51[0, 0] : f32 from vector<1x1xf32>
    %jit3A = arith.constant 0.000000e+00 : f32
    %broadcast_in_dim3A = vector.broadcast %reduce_sum3A_52 : f32 to vector<8x128xf32>
    %broadcast_in_dim3A_53 = vector.broadcast %jit3A : f32 to vector<8x128xf32>
    %select_n3A = arith.select %eq3A_47, %broadcast_in_dim3A, %broadcast_in_dim3A_53 : vector<8x128xi1>, vector<8x128xf32>
    %broadcast_in_dim3A_54 = vector.broadcast %reduce_sum3A_44 : f32 to vector<8x128xf32>
    %select_n3A_55 = arith.select %eq3A_39, %broadcast_in_dim3A_54, %select_n3A : vector<8x128xi1>, vector<8x128xf32>
    %broadcast_in_dim3A_56 = vector.broadcast %reduce_sum3A_36 : f32 to vector<8x128xf32>
    %select_n3A_57 = arith.select %eq3A_31, %broadcast_in_dim3A_56, %select_n3A_55 : vector<8x128xi1>, vector<8x128xf32>
    %broadcast_in_dim3A_58 = vector.broadcast %reduce_sum3A_28 : f32 to vector<8x128xf32>
    %select_n3A_59 = arith.select %eq3A_23, %broadcast_in_dim3A_58, %select_n3A_57 : vector<8x128xi1>, vector<8x128xf32>
    %eq3A_60 = arith.constant 0 : i32
    %eq3A_61 = arith.cmpi eq, %arg0, %eq3A_60 : i32
    %convert_element_type3A_62 = arith.extui %eq3A_61 : i1 to i32
    %cond3A = arith.constant 0 : i32
    %cond3A_63 = arith.cmpi ne, %convert_element_type3A_62, %cond3A : i32
    scf.if %cond3A_63 {
      %broadcast_in_dim3A_75 = arith.constant 0.000000e+00 : f32
      %broadcast_in_dim3A_76 = vector.broadcast %broadcast_in_dim3A_75 : f32 to vector<8x128xf32>
      %swap3A_77 = arith.constant 0 : index
      %swap3A_78 = arith.constant 0 : index
      %swap3A_79 = vector.load %arg4[%swap3A_77, %swap3A_78] : memref<8x128xf32, #tpu.memory_space<vmem>>, vector<8x128xf32>
      tpu.vector_store %arg4[%swap3A_77, %swap3A_78], %broadcast_in_dim3A_76 {strides = array<i32>} : memref<8x128xf32, #tpu.memory_space<vmem>>, vector<8x128xf32>,
    } else {
    }
    %get3A_64 = arith.constant 0 : index
    %get3A_65 = arith.constant 0 : index
    %get3A_66 = vector.load %arg4[%get3A_64, %get3A_65] : memref<8x128xf32, #tpu.memory_space<vmem>>, vector<8x128xf32>
    %add3A_67 = arith.addf %get3A_66, %select_n3A_59 : vector<8x128xf32>
    %swap3A = arith.constant 0 : index
    %swap3A_68 = arith.constant 0 : index
    %swap3A_69 = vector.load %arg4[%swap3A, %swap3A_68] : memref<8x128xf32, #tpu.memory_space<vmem>>, vector<8x128xf32>
    tpu.vector_store %arg4[%swap3A, %swap3A_68], %add3A_67 {strides = array<i32>} : memref<8x128xf32, #tpu.memory_space<vmem>>, vector<8x128xf32>,
    %eq3A_70 = arith.constant 8 : i32
    %eq3A_71 = arith.cmpi eq, %arg0, %eq3A_70 : i32
    %convert_element_type3A_72 = arith.extui %eq3A_71 : i1 to i32
    %cond3A_73 = arith.constant 0 : i32
    %cond3A_74 = arith.cmpi ne, %convert_element_type3A_72, %cond3A_73 : i32
    scf.if %cond3A_74 {
      %get3A_75 = arith.constant 0 : index
      %get3A_76 = arith.constant 0 : index
      %get3A_77 = vector.load %arg4[%get3A_75, %get3A_76] : memref<8x128xf32, #tpu.memory_space<vmem>>, vector<8x128xf32>
      %div3A = arith.constant 4.608000e+03 : f32
      %div3A_78 = vector.broadcast %div3A : f32 to vector<8x128xf32>
      %div3A_79 = arith.divf %get3A_77, %div3A_78 : vector<8x128xf32>
      %swap3A_80 = arith.constant 0 : index
      %swap3A_81 = arith.constant 0 : index
      %swap3A_82 = vector.load %arg4[%swap3A_80, %swap3A_81] : memref<8x128xf32, #tpu.memory_space<vmem>>, vector<8x128xf32>
      tpu.vector_store %arg4[%swap3A_80, %swap3A_81], %div3A_79 {strides = array<i32>} : memref<8x128xf32, #tpu.memory_space<vmem>>, vector<8x128xf32>,
    } else {
    }
    return
  }
  func.func @transform_0(%arg0: i32) -> (i32, i32) {
    %c0_i32 = arith.constant 0 : i32
    %c0_i32_0 = arith.constant 0 : i32
    return %arg0, %c0_i32 : i32, i32
  }
  func.func @transform_1(%arg0: i32) -> (i32, i32) {
    %c0_i32 = arith.constant 0 : i32
    %c0_i32_0 = arith.constant 0 : i32
    return %arg0, %c0_i32 : i32, i32
  }
  func.func @transform_2(%arg0: i32) -> (i32, i32, i32) {
    %c0_i32 = arith.constant 0 : i32
    %c0_i32_0 = arith.constant 0 : i32
    %c0_i32_1 = arith.constant 0 : i32
    return %arg0, %c0_i32, %c0_i32_0 : i32, i32, i32
  }
  func.func @transform_3(%arg0: i32) -> (i32, i32) {
    %c0_i32 = arith.constant 0 : i32
    %c0_i32_0 = arith.constant 0 : i32
    %c0_i32_1 = arith.constant 0 : i32
    return %c0_i32, %c0_i32_0 : i32, i32
  }
}

</mosaic_0001>

<sc_bundles>
// kernel: kernel.5.cloned.1.call-start
scs
__scs_entry_jumppad:
0x0: {  	(pc) =	sbr.rel $0x88, $3  }
0x1: {  	(tag) =	ssettag $0x0;
	lr =	simm.s32 $0x1  }
0x2: {  	[smem:$0x3F9D] =	sst lr;
	_ =	strace $0xD0000000  }
0x3: {  	_ = 	snop  }
0x4: {  	_ = 	snop  }
0x5: {  	_ = 	snop  }
0x6: {  	_ = 	snop  }
0x7: {  	_ = 	snop  }
__scs_overlays_trampoline_lowered:
0x8: {  	[smem:$0x3FAC] =	sst s0  }
0x9: {  	[smem:$0x3FAD] =	sst s1  }
0xa: {  	[smem:$0x3FAE] =	sst s2  }
0xb: {  	[smem:$0x3FAF] =	sst s3  }
0xc: {  	[smem:$0x3FB0] =	sst s4  }
0xd: {  	[smem:$0x3FB1] =	sst s5  }
0xe: {  	[smem:$0x3FB2] =	sst s6  }
0xf: {  	[smem:$0x3FB3] =	sst s7  }
0x10: {  	[smem:$0x3FB4] =	sst s8  }
0x11: {  	[smem:$0x3FB5] =	sst s9;
	s0 =	simm.s32 @!p0 $0x0  }
0x12: {  	s1 =	sld [smem:$0x3F9B];
	s0 =	simm.s32 @p0 $0x1  }
0x13: {  	[smem:$0x3FB6] =	sst s0;
	s0 =	simm.s32 @!p1 $0x0  }
0x14: {  	s2 =	sld [smem:$0x3F9A];
	s0 =	simm.s32 @p1 $0x1  }
0x15: {  	[smem:$0x3FB7] =	sst s0;
	s0 =	simm.s32 @!p2 $0x0  }
0x16: {  	s3 =	sld [smem:$0x3FDB];
	s0 =	simm.s32 @p2 $0x1  }
0x17: {  	s4 =	simm.s32 $0x1BF5;
	[smem:$0x3FB9] =	sst s0  }
0x18: {  	s0 =	sld [smem:$0x3F9C];
	_ =	swait.ge [sflag:s4], $0x0  }
0x19: {  	s7 =	sld [smem:$0x3F9D]  }
0x1a: {  	s8 =	sadd.s32 $0xFFFFE003, lr  }
0x1b: {  	s9 =	sadd.s32 $0xFFFFFEF7, lr;
	s5 =	simm.s32 $0xFFFFFFFF;
	p2 =	slt.u32 s8, $0xFFFFF086  }
0x1c: {  	p1 =	slt.u32 s9, $0xF7A;
	s5 =	simm.s32 @!p2 $0x0  }
0x1d: {  	s5 =	simm.s32 @p1 $0x1;
	p0 =	seq.s32 s7, s2  }
0x1e: {  	s7 =	smul.u32 @!p0 $0xF7A, s2;
	p2 =	seq.s32 @!p0 s5, $0x0  }
0x1f: {  	s9 =	smul.u32 $0xF7A, s1;
	s8 =	simm.s32 @!p0 $0x1BF5;
	p2 =	por !p2, p0  }
0x20: {  	[sflag:s8] =	ssyncset.s32 @!p0 $0xFFFFF086;
	s6 =	sadd.s32 @!p0 s3, s7;
	s7 =	simm.s32 @!p0 $0x108  }
0x21: {  	s3 =	sadd.s32 s3, s9;
	s6 =	sadd.s32 @!p0 $0x88, s6;
	s7 =	simm.s32 @p2 $0x1082  }
0x22: {  	[simem:s7], [sflag:s8] =	dma.local @!p0 [hbm:s6], $0xF7A  }
0x23: {  	s9 =	sor.u32 $0xD0000000, s2;
	s6 =	simm.s32 $0x108;
	_ =	swait.ge @!p0 [sflag:s8], $0x0  }
0x24: {  	s3 =	sadd.s32 $0x88, s3;
	s6 =	simm.s32 @!p1 $0x1082;
	[sflag:s4] =	ssyncset.s32 $0xFFFFF086  }
0x25: {  	[simem:s6], [sflag:s4] =	dma.local [hbm:s3], $0xF7A  }
0x26: {  	[smem:$0x3F9D] =	sst s1;
	(tag) =	ssettag s2;
	_ =	strace s9  }
0x27: {  	s1 =	sld [smem:$0x3FAD]  }
0x28: {  	s2 =	sld [smem:$0x3FAE]  }
0x29: {  	s4 =	sld [smem:$0x3FB0]  }
0x2a: {  	p0 =	seq.s32 s5, $0x0;
	s5 =	sld [smem:$0x3FB1]  }
0x2b: {  	s6 =	sld [smem:$0x3FB2]  }
0x2c: {  	s7 =	sld [smem:$0x3FB3]  }
0x2d: {  	s3 =	simm.s32 $0x108;
	s8 =	sld [smem:$0x3FB4]  }
0x2e: {  	s3 =	simm.s32 @!p0 $0x1082;
	s9 =	sld [smem:$0x3FB5]  }
0x2f: {  	lr =	sadd.s32 s0, s3;
	s0 =	sld [smem:$0x3FAC]  }
0x30: {  	s3 =	sld [smem:$0x3FAF]  }
0x31: {  	[smem:$0x3FB8] =	sst s10  }
0x32: {  	s10 =	sld [smem:$0x3FB6];
	_ =	sdelay $0x3  }
0x33: {  	p0 =	seq.s32 s10, $0x1;
	s10 =	sld [smem:$0x3FB8];
	_ =	sdelay $0x3  }
0x34: {  	[smem:$0x3FB8] =	sst s10  }
0x35: {  	s10 =	sld [smem:$0x3FB7];
	_ =	sdelay $0x3  }
0x36: {  	p1 =	seq.s32 s10, $0x1;
	s10 =	sld [smem:$0x3FB8];
	_ =	sdelay $0x3  }
0x37: {  	[smem:$0x3FB8] =	sst s10  }
0x38: {  	s10 =	sld [smem:$0x3FB9]  }
0x39: {  	_ = 	snop;
	(pc) =	sbr.ind lr, $3  }
0x3a: {  	_ = 	snop  }
0x3b: {  	_ = 	snop  }
0x3c: {  	p2 =	seq.s32 s10, $0x1;
	s10 =	sld [smem:$0x3FB8]  }
0x3d: {  	_ =	shalt  }
0x3e: {  	_ =	shalt  }
0x3f: {  	_ =	shalt  }
0x40: {  	_ =	shalt  }
0x41: {  	_ =	shalt  }
0x42: {  	_ =	shalt  }
0x43: {  	_ =	shalt  }
0x44: {  	_ =	shalt  }
0x45: {  	_ =	shalt  }
0x46: {  	_ =	shalt  }
0x47: {  	_ =	shalt  }
0x48: {  	_ =	shalt  }
0x49: {  	_ =	shalt  }
0x4a: {  	_ =	shalt  }
0x4b: {  	_ =	shalt  }
0x4c: {  	_ =	shalt  }
0x4d: {  	_ =	shalt  }
0x4e: {  	_ =	shalt  }
0x4f: {  	_ =	shalt  }
0x50: {  	_ =	shalt  }
0x51: {  	_ =	shalt  }
0x52: {  	_ =	shalt  }
0x53: {  	_ =	shalt  }
0x54: {  	_ =	shalt  }
0x55: {  	_ =	shalt  }
0x56: {  	_ =	shalt  }
0x57: {  	_ =	shalt  }
0x58: {  	_ =	shalt  }
0x59: {  	_ =	shalt  }
0x5a: {  	_ =	shalt  }
0x5b: {  	_ =	shalt  }
0x5c: {  	_ =	shalt  }
0x5d: {  	_ =	shalt  }
0x5e: {  	_ =	shalt  }
0x5f: {  	_ =	shalt  }
0x60: {  	_ =	shalt  }
0x61: {  	_ =	shalt  }
0x62: {  	_ =	shalt  }
0x63: {  	_ =	shalt  }
0x64: {  	_ =	shalt  }
0x65: {  	_ =	shalt  }
0x66: {  	_ =	shalt  }
0x67: {  	_ =	shalt  }
0x68: {  	_ =	shalt  }
0x69: {  	_ =	shalt  }
0x6a: {  	_ =	shalt  }
0x6b: {  	_ =	shalt  }
0x6c: {  	_ =	shalt  }
0x6d: {  	_ =	shalt  }
0x6e: {  	_ =	shalt  }
0x6f: {  	_ =	shalt  }
0x70: {  	_ =	shalt  }
0x71: {  	_ =	shalt  }
0x72: {  	_ =	shalt  }
0x73: {  	_ =	shalt  }
0x74: {  	_ =	shalt  }
0x75: {  	_ =	shalt  }
0x76: {  	_ =	shalt  }
0x77: {  	_ =	shalt  }
0x78: {  	_ =	shalt  }
0x79: {  	_ =	shalt  }
0x7a: {  	_ =	shalt  }
0x7b: {  	_ =	shalt  }
0x7c: {  	_ =	shalt  }
0x7d: {  	_ =	shalt  }
0x7e: {  	_ =	shalt  }
0x7f: {  	_ =	shalt  }
0x80: {  	_ =	shalt  }
0x81: {  	_ =	shalt  }
0x82: {  	_ =	shalt  }
0x83: {  	_ =	shalt  }
0x84: {  	_ =	shalt  }
0x85: {  	_ =	shalt  }
0x86: {  	_ =	shalt  }
0x87: {  	_ =	shalt  }
.Lfunc_end0:
.L_simem_size_0:
called_computation_lowered:
.L_overlay_start_0:
0x88: {  	s2 =	sld [smem:$0x3FD9]  }
0x89: {  	s3 =	sld [smem:$0x3FFE];
	_ =	sdelay $0x1  }
0x8a: {  	s1 =	srdreg.scid  }
0x8b: {  	s0 =	sand.u32 $0x1, s1  }
0x8c: {  	s17 =	sshll.u32 s0, $0xA;
	s2 =	sadd.s32 s3, s2  }
0x8d: {  	s2 =	sadd.s32 s2, s17  }
0x8e: {  	[smem:$0x3FC4] =	sst s2  }
0x8f: {  	_ = 	snop  }
0x90: {  	s2 =	sld [smem:$0x3FC7];
	(tm) =	ssettm $0x1  }
0x91: {  	s18 =	sld [smem:$0x3FFB];
	_ =	sdelay $0x3  }
0x92: {  	_ =	strace s18  }
0x93: {  	s3 =	sld [smem:$0x3FFC];
	_ =	sdelay $0x3  }
0x94: {  	_ =	strace s3  }
0x95: {  	s3 =	sld [smem:$0x3FFD];
	_ =	sdelay $0x3  }
0x96: {  	_ =	strace s3  }
0x97: {  	_ =	strace $0x8FFFFFFF  }
0x98: {  	s19 =	sld [smem:$0x3FDB];
	_ =	sdelay $0x1  }
0x99: {  	s4 =	simm.s32 $_scs_section_size  }
0x9a: {  	s5 =	simm.s32 $_size__tile_overlayer_lowered;
	s6 =	simm.s32 $_tile_overlayer_lowered  }
0x9b: {  	s22 =	simm.s32 $0x1BFF;
	s21 =	sshll.u32 s6, $0x1;
	s3 =	sadd.s32 s4, s19  }
0x9c: {  	s7 =	simm.s32 $0x0;
	s20 =	sshll.u32 s5, $0x1;
	s5 =	sadd.s32 s21, s3  }
0x9d: {  	[timem:s7], [sflag:s22] =	dma.local [hbm:s5], s20  }
0x9e: {  	_ =	swait.ge [sflag:s22], s20  }
0x9f: {  	s4 =	ssub.s32 $0x0, s20;
	[sflag:s22] =	ssyncset.done $0x0  }
0xa0: {  	[sflag:s22] =	ssyncadd.s32 s4;
	_ =	sdelay $0x1  }
0xa1: {  	s23 =	simm.s32 $0x1B8B  }
0xa2: {  	_ =	swait.ge [sflag:s23], $0x1  }
0xa3: {  	[sflag:s23] =	ssyncset.done $0x0  }
0xa4: {  	s25 =	simm.s32 $0x1B8E;
	s24 =	sld [smem:$0x3FFE];
	[sflag:s23] =	ssyncadd.s32 $0xFFFFFFFF  }
0xa5: {  	s26 =	simm.s32 $execute0_lowered;
	[smem:$0x3FD2] =	sst s25  }
0xa6: {  	s5 =	sshll.u32 s26, $0x1;
	_ =	strace $0x80000046;
	[dreg:$0x1] =	wrdreg $0xFFFFFFFF  }
0xa7: {  	s28 =	simm.s32 $_size_execute0_lowered;
	s3 =	sadd.s32 s3, s5;
	[dreg:$0x0] =	wrdreg $0x0  }
0xa8: {  	s5 =	sshll.u32 s28, $0x1;
	[dreg:$0x2] =	wrdreg s3  }
0xa9: {  	[dreg:$0x3] =	wrdreg s5  }
0xaa: {  	[dreg:$0x4] =	wrdreg $0xC0  }
0xab: {  	_ =	task [dreg:s7], $0x5FFFF  }
0xac: {  	[dreg:$0x1] =	wrdreg $0xFFFFFFFF  }
0xad: {  	[dreg:$0x0] =	wrdreg $0x60  }
0xae: {  	[dreg:$0x2] =	wrdreg s2  }
0xaf: {  	[dreg:$0x3] =	wrdreg s24  }
0xb0: {  	[dreg:$0x4] =	wrdreg $0x9  }
0xb1: {  	_ =	task.clear_ibuf [dreg:s7], $0x5FFFF;
	_ =	strace $0x90000046  }
0xb2: {  	s29 =	simm.s32 $0x9;
	_ =	strace $0x80000048  }
0xb3: {  	_ =	swait.ge [sflag:s29], $0x1  }
0xb4: {  	[sflag:s29] =	ssyncadd.s32 $0xFFFFFFFF  }
0xb5: {  	_ =	strace $0x90000048  }
0xb6: {  	_ =	sfence  }
0xb7: {  	s30 =	sld [smem:$0x0];
	_ =	sdelay $0x2  }
0xb8: {  	s31 =	sshll.u32 s1, $0xD;
	s1 =	sshrl.u32 s1, $0x2  }
0xb9: {  	s3 =	sand.u32 $0x4000, s31;
	s1 =	sadd.s32 s1, s30  }
0xba: {  	s0 =	sor.u32 s3, s0;
	s1 =	sshll.u32 s1, $0x11  }
0xbb: {  	s0 =	sor.u32 s1, s0  }
0xbc: {  	s0 =	sadd.s32 $0x8F2B, s0  }
0xbd: {  	[sflag:s0] =	ssyncadd.remote.s32 $0x1  }
0xbe: {  	_ =	sfence.sel $0xFFFF  }
0xbf: {  	[dreg:$0x0] =	wrdreg $0xFFFFFFFF;
	(pc) =	sbr.abs _section_cstart, $3  }
0xc0: {  	[dreg:$0x1] =	wrdreg $0xFFFFFFFF  }
0xc1: {  	_ =	task.clear_ibuf [dreg:s7], $0x2FFFF;
	_ =	strace $0x9FFFFFFF  }
0xc2: {  	(tm) =	ssettm $0x7FFFFFFF  }
0xc3: {  	_ =	shalt  }
tec
execute0_lowered:
.L_overlay_start_1:
0x0: {  	(tag) =	ssettag $0x1  }
0x1: {  	s1 =	srdreg.scid;
	s2 =	rddreg [dreg:$0x0]  }
0x2: {  	s0 =	stileid.u32;
	s5 =	rddreg [dreg:$0x1];
	s3 =	simm.s32 $0x0  }
0x3: {  	s8 =	simm.s32 $0x100;
	s9 =	simm.s32 $0x900;
	s10 =	simm.s32 $0x1100  }
0x4: {  	s11 =	simm.s32 $0x1900;
	s12 =	simm.s32 $0x2100;
	s13 =	simm.s32 $0x2900  }
0x5: {  	s14 =	simm.s32 $0x3100;
	s15 =	simm.s32 $0x3900;
	s16 =	simm.s32 $0x4100  }
0x6: {  	s17 =	simm.s32 $0x4900;
	s18 =	simm.s32 $0x5100;
	s19 =	simm.s32 $0x5900  }
0x7: {  	s20 =	simm.s32 $0x6100;
	s21 =	simm.s32 $0x6900;
	s22 =	simm.s32 $0x7100  }
0x8: {  	s23 =	simm.s32 $0x7900;
	s4 =	sand.u32 $0x1, s1;
	s30 =	sshll.u32 s0, $0x1  }
0x9: {  	s24 =	simm.s32 $0x8100;
	s25 =	simm.s32 $0x8900;
	s6 =	sor.u32 s4, s30  }
0xa: {  	s26 =	simm.s32 $0x1;
	s1 =	rddreg [dreg:$0x2];
	s7 =	smul.u32 $0x12, s6  }
0xb: {  	[smem:$0x7FF] =	sst s3;
	s4 =	ssub.s32 $0x2, s4;
	s6 =	smul.u32 $0x1200, s6  }
0xc: {  	v2 =	vlaneseq.u32;
	_ =	strace $0x80000047;
	s31 =	sshrl.u32 s4, $0x1;
	s7 =	sadd.s32 s7, s5  }
0xd: {  	vm0 =	vmmov $0xffff;
	v1 =	vshrl.u32 v2, $0x3;
	s5 =	sadd.s32 s6, s5;
	s6 =	ssub.s32 s4, s31;
	s4 =	sadd.s32 $0xC00, s7  }
0xe: {  	v0 =	vand.u32 $0x7, v2;
	v2 =	vor.u32 $0x8, v2;
	v1 =	vmul.u32 $0x8, v1;
	s5 =	sadd.s32 $0x1000, s5;
	s6 =	smax.u32 s6, $0x1;
	s7 =	simm.s32 $0x2  }
.LBB2_1:
0xf: {  	[tilespmem:s3], [sflag:$0x2] =	stream.linear.gather [hbm4b:s4+s3], $0x90, $0x38;
	[tilespmem:$0x9100] =	vst v63  }
0x10: {  	_ =	swait.ge [sflag:s7], $0x90  }
0x11: {  	[sflag:s7] =	ssyncset.done $0x0  }
0x12: {  	[sflag:s7] =	ssyncadd.s32 $0xFFFFFF70  }
0x13: {  	v3 =	vld [tilespmem:$0x0];
	_ =	sdelay $0x4  }
0x14: {  	v4 =	vshll.u32 v3, $0x1  }
0x15: {  	v3 =	vand.u32 $0x7, v3;
	v4 =	vand.u32 $0xFFFFFFF0, v4  }
0x16: {  	v3 =	vor.u32 v3, v4  }
0x17: {  	v4 =	vperm.xlane v3, v0;
	_ =	sdelay $0x1  }
0x18: {  	v3 =	vperm.xlane v3, v2;
	v4 =	vadd.s32 v1, v4;
	_ =	sdelay $0x1  }
0x19: {  	v3 =	vadd.s32 v1, v3;
	_ =	sdelay $0x2  }
0x1a: {  	[tilespmem:s8], [sflag:$0x1] =	stream.indirect_vreg.gather [hbm4b:s2+s3], $0x80, v4, vm0, $0xb8;
	[tilespmem:$0x9100] =	vst v63  }
0x1b: {  	_ = 	snop  }
0x1c: {  	[tilespmem:s9], [sflag:$0x1] =	stream.indirect_vreg.gather [hbm4b:s2+s3], $0x80, v3, vm0, $0xb8;
	[tilespmem:$0x9100] =	vst v63  }
0x1d: {  	v3 =	vld [tilespmem:$0x10];
	_ =	sdelay $0x4  }
0x1e: {  	v56 =	vshll.u32 v3, $0x1  }
0x1f: {  	v3 =	vand.u32 $0x7, v3;
	v4 =	vand.u32 $0xFFFFFFF0, v56  }
0x20: {  	v3 =	vor.u32 v3, v4  }
0x21: {  	v4 =	vperm.xlane v3, v0;
	_ =	sdelay $0x1  }
0x22: {  	v3 =	vperm.xlane v3, v2;
	v4 =	vadd.s32 v1, v4;
	_ =	sdelay $0x1  }
0x23: {  	v3 =	vadd.s32 v1, v3;
	_ =	sdelay $0x2  }
0x24: {  	[tilespmem:s10], [sflag:$0x1] =	stream.indirect_vreg.gather [hbm4b:s2+s3], $0x80, v4, vm0, $0xb8;
	[tilespmem:$0x9100] =	vst v63  }
0x25: {  	_ = 	snop  }
0x26: {  	[tilespmem:s11], [sflag:$0x1] =	stream.indirect_vreg.gather [hbm4b:s2+s3], $0x80, v3, vm0, $0xb8;
	[tilespmem:$0x9100] =	vst v63  }
0x27: {  	v3 =	vld [tilespmem:$0x20];
	_ =	sdelay $0x4  }
0x28: {  	v57 =	vshll.u32 v3, $0x1  }
0x29: {  	v3 =	vand.u32 $0x7, v3;
	v4 =	vand.u32 $0xFFFFFFF0, v57  }
0x2a: {  	v3 =	vor.u32 v3, v4  }
0x2b: {  	v4 =	vperm.xlane v3, v0;
	_ =	sdelay $0x1  }
0x2c: {  	v3 =	vperm.xlane v3, v2;
	v4 =	vadd.s32 v1, v4;
	_ =	sdelay $0x1  }
0x2d: {  	v3 =	vadd.s32 v1, v3;
	_ =	sdelay $0x2  }
0x2e: {  	[tilespmem:s12], [sflag:$0x1] =	stream.indirect_vreg.gather [hbm4b:s2+s3], $0x80, v4, vm0, $0xb8;
	[tilespmem:$0x9100] =	vst v63  }
0x2f: {  	_ = 	snop  }
0x30: {  	[tilespmem:s13], [sflag:$0x1] =	stream.indirect_vreg.gather [hbm4b:s2+s3], $0x80, v3, vm0, $0xb8;
	[tilespmem:$0x9100] =	vst v63  }
0x31: {  	v3 =	vld [tilespmem:$0x30];
	_ =	sdelay $0x4  }
0x32: {  	v58 =	vshll.u32 v3, $0x1  }
0x33: {  	v3 =	vand.u32 $0x7, v3;
	v4 =	vand.u32 $0xFFFFFFF0, v58  }
0x34: {  	v3 =	vor.u32 v3, v4  }
0x35: {  	v4 =	vperm.xlane v3, v0;
	_ =	sdelay $0x1  }
0x36: {  	v3 =	vperm.xlane v3, v2;
	v4 =	vadd.s32 v1, v4;
	_ =	sdelay $0x1  }
0x37: {  	v3 =	vadd.s32 v1, v3;
	_ =	sdelay $0x2  }
0x38: {  	[tilespmem:s14], [sflag:$0x1] =	stream.indirect_vreg.gather [hbm4b:s2+s3], $0x80, v4, vm0, $0xb8;
	[tilespmem:$0x9100] =	vst v63  }
0x39: {  	_ = 	snop  }
0x3a: {  	[tilespmem:s15], [sflag:$0x1] =	stream.indirect_vreg.gather [hbm4b:s2+s3], $0x80, v3, vm0, $0xb8;
	[tilespmem:$0x9100] =	vst v63  }
0x3b: {  	v3 =	vld [tilespmem:$0x40];
	_ =	sdelay $0x4  }
0x3c: {  	v59 =	vshll.u32 v3, $0x1  }
0x3d: {  	v3 =	vand.u32 $0x7, v3;
	v4 =	vand.u32 $0xFFFFFFF0, v59  }
0x3e: {  	v3 =	vor.u32 v3, v4  }
0x3f: {  	v4 =	vperm.xlane v3, v0;
	_ =	sdelay $0x1  }
0x40: {  	v3 =	vperm.xlane v3, v2;
	v4 =	vadd.s32 v1, v4;
	_ =	sdelay $0x1  }
0x41: {  	v3 =	vadd.s32 v1, v3;
	_ =	sdelay $0x2  }
0x42: {  	[tilespmem:s16], [sflag:$0x1] =	stream.indirect_vreg.gather [hbm4b:s2+s3], $0x80, v4, vm0, $0xb8;
	[tilespmem:$0x9100] =	vst v63  }
0x43: {  	_ = 	snop  }
0x44: {  	[tilespmem:s17], [sflag:$0x1] =	stream.indirect_vreg.gather [hbm4b:s2+s3], $0x80, v3, vm0, $0xb8;
	[tilespmem:$0x9100] =	vst v63  }
0x45: {  	v3 =	vld [tilespmem:$0x50];
	_ =	sdelay $0x4  }
0x46: {  	v60 =	vshll.u32 v3, $0x1  }
0x47: {  	v3 =	vand.u32 $0x7, v3;
	v4 =	vand.u32 $0xFFFFFFF0, v60  }
0x48: {  	v3 =	vor.u32 v3, v4  }
0x49: {  	v4 =	vperm.xlane v3, v0;
	_ =	sdelay $0x1  }
0x4a: {  	v3 =	vperm.xlane v3, v2;
	v4 =	vadd.s32 v1, v4;
	_ =	sdelay $0x1  }
0x4b: {  	v3 =	vadd.s32 v1, v3;
	_ =	sdelay $0x2  }
0x4c: {  	[tilespmem:s18], [sflag:$0x1] =	stream.indirect_vreg.gather [hbm4b:s2+s3], $0x80, v4, vm0, $0xb8;
	[tilespmem:$0x9100] =	vst v63  }
0x4d: {  	_ = 	snop  }
0x4e: {  	[tilespmem:s19], [sflag:$0x1] =	stream.indirect_vreg.gather [hbm4b:s2+s3], $0x80, v3, vm0, $0xb8;
	[tilespmem:$0x9100] =	vst v63  }
0x4f: {  	v3 =	vld [tilespmem:$0x60];
	_ =	sdelay $0x4  }
0x50: {  	v61 =	vshll.u32 v3, $0x1  }
0x51: {  	v3 =	vand.u32 $0x7, v3;
	v4 =	vand.u32 $0xFFFFFFF0, v61  }
0x52: {  	v3 =	vor.u32 v3, v4  }
0x53: {  	v4 =	vperm.xlane v3, v0;
	_ =	sdelay $0x1  }
0x54: {  	v3 =	vperm.xlane v3, v2;
	v4 =	vadd.s32 v1, v4;
	_ =	sdelay $0x1  }
0x55: {  	v3 =	vadd.s32 v1, v3;
	_ =	sdelay $0x2  }
0x56: {  	[tilespmem:s20], [sflag:$0x1] =	stream.indirect_vreg.gather [hbm4b:s2+s3], $0x80, v4, vm0, $0xb8;
	[tilespmem:$0x9100] =	vst v63  }
0x57: {  	_ = 	snop  }
0x58: {  	[tilespmem:s21], [sflag:$0x1] =	stream.indirect_vreg.gather [hbm4b:s2+s3], $0x80, v3, vm0, $0xb8;
	[tilespmem:$0x9100] =	vst v63  }
0x59: {  	v3 =	vld [tilespmem:$0x70];
	_ =	sdelay $0x4  }
0x5a: {  	v62 =	vshll.u32 v3, $0x1  }
0x5b: {  	v3 =	vand.u32 $0x7, v3;
	v4 =	vand.u32 $0xFFFFFFF0, v62  }
0x5c: {  	v3 =	vor.u32 v3, v4  }
0x5d: {  	v4 =	vperm.xlane v3, v0;
	_ =	sdelay $0x1  }
0x5e: {  	v3 =	vperm.xlane v3, v2;
	v4 =	vadd.s32 v1, v4;
	_ =	sdelay $0x1  }
0x5f: {  	v3 =	vadd.s32 v1, v3;
	_ =	sdelay $0x2  }
0x60: {  	[tilespmem:s22], [sflag:$0x1] =	stream.indirect_vreg.gather [hbm4b:s2+s3], $0x80, v4, vm0, $0xb8;
	[tilespmem:$0x9100] =	vst v63  }
0x61: {  	_ = 	snop  }
0x62: {  	[tilespmem:s23], [sflag:$0x1] =	stream.indirect_vreg.gather [hbm4b:s2+s3], $0x80, v3, vm0, $0xb8;
	[tilespmem:$0x9100] =	vst v63  }
0x63: {  	v3 =	vld [tilespmem:$0x80];
	_ =	sdelay $0x4  }
0x64: {  	v63 =	vshll.u32 v3, $0x1  }
0x65: {  	v3 =	vand.u32 $0x7, v3;
	v4 =	vand.u32 $0xFFFFFFF0, v63  }
0x66: {  	v3 =	vor.u32 v3, v4  }
0x67: {  	v4 =	vperm.xlane v3, v0;
	_ =	sdelay $0x1  }
0x68: {  	v3 =	vperm.xlane v3, v2;
	v4 =	vadd.s32 v1, v4;
	_ =	sdelay $0x1  }
0x69: {  	v3 =	vadd.s32 v1, v3;
	_ =	sdelay $0x2  }
0x6a: {  	[tilespmem:s24], [sflag:$0x1] =	stream.indirect_vreg.gather [hbm4b:s2+s3], $0x80, v4, vm0, $0xb8;
	[tilespmem:$0x9100] =	vst v63  }
0x6b: {  	_ = 	snop  }
0x6c: {  	[tilespmem:s25], [sflag:$0x1] =	stream.indirect_vreg.gather [hbm4b:s2+s3], $0x80, v3, vm0, $0xb8;
	[tilespmem:$0x9100] =	vst v63  }
0x6d: {  	_ =	swait.ge [sflag:s26], $0x9000  }
0x6e: {  	p0 =	sne.s32 s6, $0x1;
	[sflag:s26] =	ssyncset.done $0x0  }
.Ltmp0:
0x6f: {  	[sflag:s26] =	ssyncadd.s32 $0xFFFF7000;
	(pc) =	sbr.rel @p0 .LBB2_1-.Ltmp0, $4  }
0x70: {  	[hbm4b:s5+s3] =	stream.linear.scatter [tilespmem:s8], [sflag:$0x2], $0x9000, $0x38;
	[tilespmem:$0x9100] =	vst v63  }
0x71: {  	_ =	swait.ge [sflag:s7], $0x9000  }
0x72: {  	[sflag:s7] =	ssyncset.done $0x0  }
0x73: {  	s6 =	sadd.s32 $0xFFFFFFFF, s6;
	[sflag:s7] =	ssyncadd.s32 $0xFFFF7000  }
0x74: {  	_ =	sfence.sel $0x180000  }
0x75: {  	[bflag:$0x0] =	sbarrier.arrive $0xFFFF  }
0x76: {  	p0 =	sne.s32 s0, $0x0;
	_ =	strace $0x90000047  }
0x77: {  	s0 =	sadd.s32 @!p0 $0x100000, s1;
	[bflag:$0x2] =	sbarrier.arrive $0xFFFF  }
0x78: {  	[sflag:s0] =	ssyncadd.tile.s32 @!p0 $0x1;
	_ =	shalt  }
.Lfunc_end2:
_tile_overlayer_lowered:
.L_overlay_start_2:
0x79: {  	(tag) =	ssettag $0x2  }
0x7a: {  	s0 =	rddreg [dreg:$0x0];
	s2 =	stileid.u32  }
0x7b: {  	s1 =	rddreg [dreg:$0x1];
	p0 =	sne.s32 s2, $0x0  }
0x7c: {  	s3 =	rddreg [dreg:$0x2];
	[bflag:$0x3] =	sbarrier.arrive $0xFFFF;
	s2 =	simm.s32 @!p0 $0x1C02  }
0x7d: {  	[timem:s3], [sflag:s2] =	dma.local @!p0 [hbm:s0], s1  }
0x7e: {  	s0 =	simm.s32 @!p0 $0x2  }
0x7f: {  	_ =	swait.ge @!p0 [sflag:s0], s1  }
0x80: {  	s1 =	ssub.s32 @!p0 $0x0, s1;
	[sflag:s0] =	ssyncset.done @!p0 $0x0  }
0x81: {  	[sflag:s0] =	ssyncadd.s32 @!p0 s1  }
0x82: {  	[bflag:$0x3] =	sbarrier.arrive $0xFFFF  }
0x83: {  	_ =	shalt  }

</sc_bundles>
